<compile_context>
chip_gen: v7x
topology: tpu7x:2x2x1
jax: 0.10.2.dev20260603
libtpu: 0.0.44.dev20260713+nightly
codegen_flags: <defaults>
</compile_context>

<pallas_src>
import math

import jax
import jax.numpy as jnp
from jax import lax
from jax.experimental import pallas as pl
from jax.experimental.pallas import tpu as pltpu
from jax.experimental.pallas import tpu_sc as plsc

VOCAB = 100000
D = 128
SCALE = math.sqrt(float(D))

NC = 2
NS = 16
NW = NC * NS

B_TOTAL = 4096 * 200
B_PER_W = B_TOTAL // NW
CHUNK = 128
N_CHUNKS = B_PER_W // CHUNK
NBUF = 5
N_SUPER = N_CHUNKS // NBUF


def _scale_kernel(t_ref, o_ref):
    o_ref[...] = t_ref[...] * SCALE


def _scaled_table(table):
    tb = 1000
    return pl.pallas_call(
        _scale_kernel,
        out_shape=jax.ShapeDtypeStruct((VOCAB, D), jnp.float32),
        grid=(VOCAB // tb,),
        in_specs=[pl.BlockSpec((tb, D), lambda i: (i, 0))],
        out_specs=pl.BlockSpec((tb, D), lambda i: (i, 0)),
    )(table)


_mesh = plsc.VectorSubcoreMesh(core_axis_name="c", subcore_axis_name="s",
                               num_cores=NC, num_subcores=NS)


@jax.jit
def _gather(table, idx):
    @pl.kernel(
        out_type=jax.ShapeDtypeStruct((B_TOTAL, D), jnp.float32),
        mesh=_mesh,
        scratch_types=[
            pltpu.VMEM((B_PER_W,), jnp.int32),
            pltpu.VMEM((NBUF, CHUNK, D), jnp.float32),
            [pltpu.SemaphoreType.DMA] * NBUF,
            [pltpu.SemaphoreType.DMA] * NBUF,
        ],
    )
    def k(table_hbm, idx_hbm, out_hbm, idx_v, rows_v, sem_in, sem_out):
        wid = lax.axis_index("s") * NC + lax.axis_index("c")
        base = wid * B_PER_W
        pltpu.sync_copy(idx_hbm.at[pl.ds(base, B_PER_W)], idx_v)

        def gather_start(g, b):
            pltpu.async_copy(
                table_hbm.at[idx_v.at[pl.ds(g * CHUNK, CHUNK)]],
                rows_v.at[b], sem_in[b],
            )

        def out_start(g, b):
            pltpu.async_copy(
                rows_v.at[b], out_hbm.at[pl.ds(base + g * CHUNK, CHUNK)],
                sem_out[b],
            )

        def wait(sem, b):
            pltpu.make_async_copy(
                table_hbm.at[pl.ds(0, CHUNK)], rows_v.at[b], sem[b]
            ).wait()

        for b in range(NBUF):
            out_start(b, b)

        def scale_buf(b):
            def row_body(r, carry):
                for j in range(D // 16):
                    sl = (b, r, pl.ds(j * 16, 16))
                    rows_v[sl] = rows_v[sl] * SCALE
                return carry
            lax.fori_loop(0, CHUNK, row_body, 0)

        def body(t, carry):
            g0 = t * NBUF
            for b in range(NBUF):
                wait(sem_out, b)
                out_start(g0 + NBUF + b, b)
            return carry

        lax.fori_loop(0, N_SUPER - 1, body, 0)

        for b in range(NBUF):
            wait(sem_out, b)

    return k(table, idx)


def kernel(tokens, table):
    idx = tokens.reshape(-1).astype(jnp.int32)
    out = _gather(table, idx)
    return out.reshape(tokens.shape[0], tokens.shape[1], D)

# --- scband reference (transcript-rebuilt; emitter-appended) ---
"""Pipeline reference for scband-embeddings-70325794505119 (READ-ONLY COPY).

The authoritative reference and input builder live on the scoring server;
editing this copy changes nothing except your own understanding.
"""

import jax, jax.numpy as jnp
import numpy as np
import math

VOCAB_SIZE = 100000
DIM_MODEL = 128
PAD_ID = 0  # sp.pad_id() assumed 0

def setup_inputs(seed: int = 0) -> dict:
    key = jax.random.key(seed)
    k1, k2 = jax.random.split(key)
    tokens = jax.random.randint(k1, (4096, 200), 0, VOCAB_SIZE, dtype=jnp.int64 if jax.config.jax_enable_x64 else jnp.int32)
    table = jax.random.normal(k2, (VOCAB_SIZE, DIM_MODEL), dtype=jnp.float32)
    # padding_idx row is zero-initialized in nn.Embedding
    table = table.at[PAD_ID].set(0.0)
    return {"tokens": tokens, "table": table}

def reference(tokens, table):
    # embeddings = self.embed(tokens)
    embeddings = jnp.take(table, tokens, axis=0)
    # scale by sqrt(dim_model)
    scaling_factor = math.sqrt(DIM_MODEL)
    embeddings = embeddings * scaling_factor
    return embeddings

if __name__ == "__main__":
    import jax
    _d = setup_inputs()
    print(jax.jit(kernel)(*tuple(_d.values())))

</pallas_src>

<mosaic_0001>
#map = affine_map<(d0, d1) -> (0, 0)>
#map1 = affine_map<(d0, d1) -> (0)>
module attributes {stable_mosaic.version = 14 : i64} {
  func.func @k(%arg0: i32, %arg1: i32, %arg2: memref<100000x128xf32, #tpu.memory_space<hbm>>, %arg3: memref<819200xi32, #tpu.memory_space<hbm>>, %arg4: memref<819200x128xf32, #tpu.memory_space<hbm>>, %arg5: memref<25600xi32, #tpu.memory_space<vmem>>, %arg6: memref<5x128x128xf32, #tpu.memory_space<vmem>>, %arg7: memref<!tpu.dma_semaphore, #tpu.memory_space<semaphore_mem>>, %arg8: memref<!tpu.dma_semaphore, #tpu.memory_space<semaphore_mem>>, %arg9: memref<!tpu.dma_semaphore, #tpu.memory_space<semaphore_mem>>, %arg10: memref<!tpu.dma_semaphore, #tpu.memory_space<semaphore_mem>>, %arg11: memref<!tpu.dma_semaphore, #tpu.memory_space<semaphore_mem>>, %arg12: memref<!tpu.dma_semaphore, #tpu.memory_space<semaphore_mem>>, %arg13: memref<!tpu.dma_semaphore, #tpu.memory_space<semaphore_mem>>, %arg14: memref<!tpu.dma_semaphore, #tpu.memory_space<semaphore_mem>>, %arg15: memref<!tpu.dma_semaphore, #tpu.memory_space<semaphore_mem>>, %arg16: memref<!tpu.dma_semaphore, #tpu.memory_space<semaphore_mem>>) attributes {dimension_semantics = [#tpu.dimension_semantics<core_parallel>, #tpu.dimension_semantics<subcore_parallel>], iteration_bounds = array<i64: 2, 16>, scalar_prefetch = 0 : i64, scratch_operands = 12 : i64, tpu.core_type = #tpu.core_type<sc_vector_subcore>, window_params = [{transform_indices = #map}, {transform_indices = #map1}, {transform_indices = #map}]} {
    %mul3A = arith.constant 2 : i32
    %mul3A_0 = arith.muli %arg1, %mul3A : i32
    %add3A = arith.addi %mul3A_0, %arg0 : i32
    %mul3A_1 = arith.constant 25600 : i32
    %mul3A_2 = arith.muli %add3A, %mul3A_1 : i32
    "tpu.region"() ({
      %run_scoped3A = tpu.sem_alloc : memref<!tpu.dma_semaphore, #tpu.memory_space<semaphore_mem>>
      %dma_start3A_156 = tpu.memref_slice %arg3[%mul3A_2] : memref<819200xi32, #tpu.memory_space<hbm>> -> memref<25600xi32, #tpu.memory_space<hbm>>
      %dma_start3A_157 = tpu.memref_slice %arg3[%mul3A_2] : memref<819200xi32, #tpu.memory_space<hbm>> -> memref<25600xi32, #tpu.memory_space<hbm>>
      tpu.enqueue_dma source(%dma_start3A_157 : memref<25600xi32, #tpu.memory_space<hbm>>) target(%arg5 : memref<25600xi32, #tpu.memory_space<vmem>>) target_semaphore(%run_scoped3A : memref<!tpu.dma_semaphore, #tpu.memory_space<semaphore_mem>>)
      %dma_wait3A_158 = tpu.memref_slice %arg3[%mul3A_2] : memref<819200xi32, #tpu.memory_space<hbm>> -> memref<25600xi32, #tpu.memory_space<hbm>>
      %dma_wait3A_159 = tpu.memref_slice %arg3[%mul3A_2] : memref<819200xi32, #tpu.memory_space<hbm>> -> memref<25600xi32, #tpu.memory_space<hbm>>
      tpu.wait_dma2 semaphore(%run_scoped3A : memref<!tpu.dma_semaphore, #tpu.memory_space<semaphore_mem>>) src(%dma_wait3A_159 : memref<25600xi32, #tpu.memory_space<hbm>>) dst(%arg5 : memref<25600xi32, #tpu.memory_space<vmem>>)
      tpu.yield
    }) : () -> ()
    %add3A_3 = arith.constant 0 : i32
    %add3A_4 = arith.addi %mul3A_2, %add3A_3 : i32
    %dma_start3A = arith.constant 0 : i32
    %dma_start3A_5 = arith.constant 0 : i32
    %dma_start3A_6 = arith.constant 0 : i32
    %dma_start3A_7 = tpu.memref_slice %arg6[%dma_start3A, %dma_start3A_5, %dma_start3A_6] : memref<5x128x128xf32, #tpu.memory_space<vmem>> -> memref<1x128x128xf32, #tpu.memory_space<vmem>>
    %dma_start3A_8 = tpu.memref_squeeze %dma_start3A_7 : memref<1x128x128xf32, #tpu.memory_space<vmem>> -> memref<128x128xf32, #tpu.memory_space<vmem>>
    %dma_start3A_9 = arith.constant 0 : i32
    %dma_start3A_10 = tpu.memref_slice %arg4[%add3A_4, %dma_start3A_9] : memref<819200x128xf32, #tpu.memory_space<hbm>> -> memref<128x128xf32, #tpu.memory_space<hbm>>
    %dma_start3A_11 = arith.constant 0 : i32
    %dma_start3A_12 = tpu.memref_slice %arg4[%add3A_4, %dma_start3A_11] : memref<819200x128xf32, #tpu.memory_space<hbm>> -> memref<128x128xf32, #tpu.memory_space<hbm>>
    %dma_start3A_13 = arith.constant 0 : i32
    %dma_start3A_14 = arith.constant 0 : i32
    %dma_start3A_15 = tpu.memref_slice %arg6[%dma_start3A, %dma_start3A_13, %dma_start3A_14] : memref<5x128x128xf32, #tpu.memory_space<vmem>> -> memref<1x128x128xf32, #tpu.memory_space<vmem>>
    %dma_start3A_16 = tpu.memref_squeeze %dma_start3A_15 : memref<1x128x128xf32, #tpu.memory_space<vmem>> -> memref<128x128xf32, #tpu.memory_space<vmem>>
    tpu.enqueue_dma source(%dma_start3A_16 : memref<128x128xf32, #tpu.memory_space<vmem>>) target(%dma_start3A_12 : memref<128x128xf32, #tpu.memory_space<hbm>>) target_semaphore(%arg12 : memref<!tpu.dma_semaphore, #tpu.memory_space<semaphore_mem>>)
    %add3A_17 = arith.constant 128 : i32
    %add3A_18 = arith.addi %mul3A_2, %add3A_17 : i32
    %dma_start3A_19 = arith.constant 1 : i32
    %dma_start3A_20 = arith.constant 0 : i32
    %dma_start3A_21 = arith.constant 0 : i32
    %dma_start3A_22 = tpu.memref_slice %arg6[%dma_start3A_19, %dma_start3A_20, %dma_start3A_21] : memref<5x128x128xf32, #tpu.memory_space<vmem>> -> memref<1x128x128xf32, #tpu.memory_space<vmem>>
    %dma_start3A_23 = tpu.memref_squeeze %dma_start3A_22 : memref<1x128x128xf32, #tpu.memory_space<vmem>> -> memref<128x128xf32, #tpu.memory_space<vmem>>
    %dma_start3A_24 = arith.constant 0 : i32
    %dma_start3A_25 = tpu.memref_slice %arg4[%add3A_18, %dma_start3A_24] : memref<819200x128xf32, #tpu.memory_space<hbm>> -> memref<128x128xf32, #tpu.memory_space<hbm>>
    %dma_start3A_26 = arith.constant 0 : i32
    %dma_start3A_27 = tpu.memref_slice %arg4[%add3A_18, %dma_start3A_26] : memref<819200x128xf32, #tpu.memory_space<hbm>> -> memref<128x128xf32, #tpu.memory_space<hbm>>
    %dma_start3A_28 = arith.constant 0 : i32
    %dma_start3A_29 = arith.constant 0 : i32
    %dma_start3A_30 = tpu.memref_slice %arg6[%dma_start3A_19, %dma_start3A_28, %dma_start3A_29] : memref<5x128x128xf32, #tpu.memory_space<vmem>> -> memref<1x128x128xf32, #tpu.memory_space<vmem>>
    %dma_start3A_31 = tpu.memref_squeeze %dma_start3A_30 : memref<1x128x128xf32, #tpu.memory_space<vmem>> -> memref<128x128xf32, #tpu.memory_space<vmem>>
    tpu.enqueue_dma source(%dma_start3A_31 : memref<128x128xf32, #tpu.memory_space<vmem>>) target(%dma_start3A_27 : memref<128x128xf32, #tpu.memory_space<hbm>>) target_semaphore(%arg13 : memref<!tpu.dma_semaphore, #tpu.memory_space<semaphore_mem>>)
    %add3A_32 = arith.constant 256 : i32
    %add3A_33 = arith.addi %mul3A_2, %add3A_32 : i32
    %dma_start3A_34 = arith.constant 2 : i32
    %dma_start3A_35 = arith.constant 0 : i32
    %dma_start3A_36 = arith.constant 0 : i32
    %dma_start3A_37 = tpu.memref_slice %arg6[%dma_start3A_34, %dma_start3A_35, %dma_start3A_36] : memref<5x128x128xf32, #tpu.memory_space<vmem>> -> memref<1x128x128xf32, #tpu.memory_space<vmem>>
    %dma_start3A_38 = tpu.memref_squeeze %dma_start3A_37 : memref<1x128x128xf32, #tpu.memory_space<vmem>> -> memref<128x128xf32, #tpu.memory_space<vmem>>
    %dma_start3A_39 = arith.constant 0 : i32
    %dma_start3A_40 = tpu.memref_slice %arg4[%add3A_33, %dma_start3A_39] : memref<819200x128xf32, #tpu.memory_space<hbm>> -> memref<128x128xf32, #tpu.memory_space<hbm>>
    %dma_start3A_41 = arith.constant 0 : i32
    %dma_start3A_42 = tpu.memref_slice %arg4[%add3A_33, %dma_start3A_41] : memref<819200x128xf32, #tpu.memory_space<hbm>> -> memref<128x128xf32, #tpu.memory_space<hbm>>
    %dma_start3A_43 = arith.constant 0 : i32
    %dma_start3A_44 = arith.constant 0 : i32
    %dma_start3A_45 = tpu.memref_slice %arg6[%dma_start3A_34, %dma_start3A_43, %dma_start3A_44] : memref<5x128x128xf32, #tpu.memory_space<vmem>> -> memref<1x128x128xf32, #tpu.memory_space<vmem>>
    %dma_start3A_46 = tpu.memref_squeeze %dma_start3A_45 : memref<1x128x128xf32, #tpu.memory_space<vmem>> -> memref<128x128xf32, #tpu.memory_space<vmem>>
    tpu.enqueue_dma source(%dma_start3A_46 : memref<128x128xf32, #tpu.memory_space<vmem>>) target(%dma_start3A_42 : memref<128x128xf32, #tpu.memory_space<hbm>>) target_semaphore(%arg14 : memref<!tpu.dma_semaphore, #tpu.memory_space<semaphore_mem>>)
    %add3A_47 = arith.constant 384 : i32
    %add3A_48 = arith.addi %mul3A_2, %add3A_47 : i32
    %dma_start3A_49 = arith.constant 3 : i32
    %dma_start3A_50 = arith.constant 0 : i32
    %dma_start3A_51 = arith.constant 0 : i32
    %dma_start3A_52 = tpu.memref_slice %arg6[%dma_start3A_49, %dma_start3A_50, %dma_start3A_51] : memref<5x128x128xf32, #tpu.memory_space<vmem>> -> memref<1x128x128xf32, #tpu.memory_space<vmem>>
    %dma_start3A_53 = tpu.memref_squeeze %dma_start3A_52 : memref<1x128x128xf32, #tpu.memory_space<vmem>> -> memref<128x128xf32, #tpu.memory_space<vmem>>
    %dma_start3A_54 = arith.constant 0 : i32
    %dma_start3A_55 = tpu.memref_slice %arg4[%add3A_48, %dma_start3A_54] : memref<819200x128xf32, #tpu.memory_space<hbm>> -> memref<128x128xf32, #tpu.memory_space<hbm>>
    %dma_start3A_56 = arith.constant 0 : i32
    %dma_start3A_57 = tpu.memref_slice %arg4[%add3A_48, %dma_start3A_56] : memref<819200x128xf32, #tpu.memory_space<hbm>> -> memref<128x128xf32, #tpu.memory_space<hbm>>
    %dma_start3A_58 = arith.constant 0 : i32
    %dma_start3A_59 = arith.constant 0 : i32
    %dma_start3A_60 = tpu.memref_slice %arg6[%dma_start3A_49, %dma_start3A_58, %dma_start3A_59] : memref<5x128x128xf32, #tpu.memory_space<vmem>> -> memref<1x128x128xf32, #tpu.memory_space<vmem>>
    %dma_start3A_61 = tpu.memref_squeeze %dma_start3A_60 : memref<1x128x128xf32, #tpu.memory_space<vmem>> -> memref<128x128xf32, #tpu.memory_space<vmem>>
    tpu.enqueue_dma source(%dma_start3A_61 : memref<128x128xf32, #tpu.memory_space<vmem>>) target(%dma_start3A_57 : memref<128x128xf32, #tpu.memory_space<hbm>>) target_semaphore(%arg15 : memref<!tpu.dma_semaphore, #tpu.memory_space<semaphore_mem>>)
    %add3A_62 = arith.constant 512 : i32
    %add3A_63 = arith.addi %mul3A_2, %add3A_62 : i32
    %dma_start3A_64 = arith.constant 4 : i32
    %dma_start3A_65 = arith.constant 0 : i32
    %dma_start3A_66 = arith.constant 0 : i32
    %dma_start3A_67 = tpu.memref_slice %arg6[%dma_start3A_64, %dma_start3A_65, %dma_start3A_66] : memref<5x128x128xf32, #tpu.memory_space<vmem>> -> memref<1x128x128xf32, #tpu.memory_space<vmem>>
    %dma_start3A_68 = tpu.memref_squeeze %dma_start3A_67 : memref<1x128x128xf32, #tpu.memory_space<vmem>> -> memref<128x128xf32, #tpu.memory_space<vmem>>
    %dma_start3A_69 = arith.constant 0 : i32
    %dma_start3A_70 = tpu.memref_slice %arg4[%add3A_63, %dma_start3A_69] : memref<819200x128xf32, #tpu.memory_space<hbm>> -> memref<128x128xf32, #tpu.memory_space<hbm>>
    %dma_start3A_71 = arith.constant 0 : i32
    %dma_start3A_72 = tpu.memref_slice %arg4[%add3A_63, %dma_start3A_71] : memref<819200x128xf32, #tpu.memory_space<hbm>> -> memref<128x128xf32, #tpu.memory_space<hbm>>
    %dma_start3A_73 = arith.constant 0 : i32
    %dma_start3A_74 = arith.constant 0 : i32
    %dma_start3A_75 = tpu.memref_slice %arg6[%dma_start3A_64, %dma_start3A_73, %dma_start3A_74] : memref<5x128x128xf32, #tpu.memory_space<vmem>> -> memref<1x128x128xf32, #tpu.memory_space<vmem>>
    %dma_start3A_76 = tpu.memref_squeeze %dma_start3A_75 : memref<1x128x128xf32, #tpu.memory_space<vmem>> -> memref<128x128xf32, #tpu.memory_space<vmem>>
    tpu.enqueue_dma source(%dma_start3A_76 : memref<128x128xf32, #tpu.memory_space<vmem>>) target(%dma_start3A_72 : memref<128x128xf32, #tpu.memory_space<hbm>>) target_semaphore(%arg16 : memref<!tpu.dma_semaphore, #tpu.memory_space<semaphore_mem>>)
    %scan3A = arith.constant 0 : i32
    %scan3A_77 = arith.constant 0 : i32
    %scan3A_78 = arith.constant 39 : i32
    %scan3A_79 = arith.addi %scan3A_77, %scan3A_78 : i32
    %scan3A_80 = arith.constant 1 : i32
    scf.for %scan3A_156 = %scan3A_77 to %scan3A_79 step %scan3A_80  : i32 {
      %mul3A_157 = arith.constant 5 : i32
      %mul3A_158 = arith.muli %scan3A_156, %mul3A_157 : i32
      %dma_wait3A_159 = arith.constant 0 : i32
      %dma_wait3A_160 = arith.constant 0 : i32
      %dma_wait3A_161 = arith.constant 0 : i32
      %dma_wait3A_162 = tpu.memref_slice %arg6[%dma_wait3A_159, %dma_wait3A_160, %dma_wait3A_161] : memref<5x128x128xf32, #tpu.memory_space<vmem>> -> memref<1x128x128xf32, #tpu.memory_space<vmem>>
      %dma_wait3A_163 = tpu.memref_squeeze %dma_wait3A_162 : memref<1x128x128xf32, #tpu.memory_space<vmem>> -> memref<128x128xf32, #tpu.memory_space<vmem>>
      %dma_wait3A_164 = arith.constant 0 : i32
      %dma_wait3A_165 = arith.constant 0 : i32
      %dma_wait3A_166 = tpu.memref_slice %arg2[%dma_wait3A_164, %dma_wait3A_165] : memref<100000x128xf32, #tpu.memory_space<hbm>> -> memref<128x128xf32, #tpu.memory_space<hbm>>
      %dma_wait3A_167 = arith.constant 0 : i32
      %dma_wait3A_168 = arith.constant 0 : i32
      %dma_wait3A_169 = tpu.memref_slice %arg6[%dma_wait3A_159, %dma_wait3A_167, %dma_wait3A_168] : memref<5x128x128xf32, #tpu.memory_space<vmem>> -> memref<1x128x128xf32, #tpu.memory_space<vmem>>
      %dma_wait3A_170 = tpu.memref_squeeze %dma_wait3A_169 : memref<1x128x128xf32, #tpu.memory_space<vmem>> -> memref<128x128xf32, #tpu.memory_space<vmem>>
      %dma_wait3A_171 = arith.constant 0 : i32
      %dma_wait3A_172 = arith.constant 0 : i32
      %dma_wait3A_173 = tpu.memref_slice %arg2[%dma_wait3A_171, %dma_wait3A_172] : memref<100000x128xf32, #tpu.memory_space<hbm>> -> memref<128x128xf32, #tpu.memory_space<hbm>>
      tpu.wait_dma2 semaphore(%arg12 : memref<!tpu.dma_semaphore, #tpu.memory_space<semaphore_mem>>) src(%dma_wait3A_173 : memref<128x128xf32, #tpu.memory_space<hbm>>) dst(%dma_wait3A_170 : memref<128x128xf32, #tpu.memory_space<vmem>>)
      %add3A_174 = arith.constant 5 : i32
      %add3A_175 = arith.addi %mul3A_158, %add3A_174 : i32
      %add3A_176 = arith.constant 0 : i32
      %add3A_177 = arith.addi %add3A_175, %add3A_176 : i32
      %mul3A_178 = arith.constant 128 : i32
      %mul3A_179 = arith.muli %add3A_177, %mul3A_178 : i32
      %add3A_180 = arith.addi %mul3A_2, %mul3A_179 : i32
      %dma_start3A_181 = arith.constant 0 : i32
      %dma_start3A_182 = arith.constant 0 : i32
      %dma_start3A_183 = arith.constant 0 : i32
      %dma_start3A_184 = tpu.memref_slice %arg6[%dma_start3A_181, %dma_start3A_182, %dma_start3A_183] : memref<5x128x128xf32, #tpu.memory_space<vmem>> -> memref<1x128x128xf32, #tpu.memory_space<vmem>>
      %dma_start3A_185 = tpu.memref_squeeze %dma_start3A_184 : memref<1x128x128xf32, #tpu.memory_space<vmem>> -> memref<128x128xf32, #tpu.memory_space<vmem>>
      %dma_start3A_186 = arith.constant 0 : i32
      %dma_start3A_187 = tpu.memref_slice %arg4[%add3A_180, %dma_start3A_186] : memref<819200x128xf32, #tpu.memory_space<hbm>> -> memref<128x128xf32, #tpu.memory_space<hbm>>
      %dma_start3A_188 = arith.constant 0 : i32
      %dma_start3A_189 = tpu.memref_slice %arg4[%add3A_180, %dma_start3A_188] : memref<819200x128xf32, #tpu.memory_space<hbm>> -> memref<128x128xf32, #tpu.memory_space<hbm>>
      %dma_start3A_190 = arith.constant 0 : i32
      %dma_start3A_191 = arith.constant 0 : i32
      %dma_start3A_192 = tpu.memref_slice %arg6[%dma_start3A_181, %dma_start3A_190, %dma_start3A_191] : memref<5x128x128xf32, #tpu.memory_space<vmem>> -> memref<1x128x128xf32, #tpu.memory_space<vmem>>
      %dma_start3A_193 = tpu.memref_squeeze %dma_start3A_192 : memref<1x128x128xf32, #tpu.memory_space<vmem>> -> memref<128x128xf32, #tpu.memory_space<vmem>>
      tpu.enqueue_dma source(%dma_start3A_193 : memref<128x128xf32, #tpu.memory_space<vmem>>) target(%dma_start3A_189 : memref<128x128xf32, #tpu.memory_space<hbm>>) target_semaphore(%arg12 : memref<!tpu.dma_semaphore, #tpu.memory_space<semaphore_mem>>)
      %dma_wait3A_194 = arith.constant 1 : i32
      %dma_wait3A_195 = arith.constant 0 : i32
      %dma_wait3A_196 = arith.constant 0 : i32
      %dma_wait3A_197 = tpu.memref_slice %arg6[%dma_wait3A_194, %dma_wait3A_195, %dma_wait3A_196] : memref<5x128x128xf32, #tpu.memory_space<vmem>> -> memref<1x128x128xf32, #tpu.memory_space<vmem>>
      %dma_wait3A_198 = tpu.memref_squeeze %dma_wait3A_197 : memref<1x128x128xf32, #tpu.memory_space<vmem>> -> memref<128x128xf32, #tpu.memory_space<vmem>>
      %dma_wait3A_199 = arith.constant 0 : i32
      %dma_wait3A_200 = arith.constant 0 : i32
      %dma_wait3A_201 = tpu.memref_slice %arg2[%dma_wait3A_199, %dma_wait3A_200] : memref<100000x128xf32, #tpu.memory_space<hbm>> -> memref<128x128xf32, #tpu.memory_space<hbm>>
      %dma_wait3A_202 = arith.constant 0 : i32
      %dma_wait3A_203 = arith.constant 0 : i32
      %dma_wait3A_204 = tpu.memref_slice %arg6[%dma_wait3A_194, %dma_wait3A_202, %dma_wait3A_203] : memref<5x128x128xf32, #tpu.memory_space<vmem>> -> memref<1x128x128xf32, #tpu.memory_space<vmem>>
      %dma_wait3A_205 = tpu.memref_squeeze %dma_wait3A_204 : memref<1x128x128xf32, #tpu.memory_space<vmem>> -> memref<128x128xf32, #tpu.memory_space<vmem>>
      %dma_wait3A_206 = arith.constant 0 : i32
      %dma_wait3A_207 = arith.constant 0 : i32
      %dma_wait3A_208 = tpu.memref_slice %arg2[%dma_wait3A_206, %dma_wait3A_207] : memref<100000x128xf32, #tpu.memory_space<hbm>> -> memref<128x128xf32, #tpu.memory_space<hbm>>
      tpu.wait_dma2 semaphore(%arg13 : memref<!tpu.dma_semaphore, #tpu.memory_space<semaphore_mem>>) src(%dma_wait3A_208 : memref<128x128xf32, #tpu.memory_space<hbm>>) dst(%dma_wait3A_205 : memref<128x128xf32, #tpu.memory_space<vmem>>)
      %add3A_209 = arith.constant 5 : i32
      %add3A_210 = arith.addi %mul3A_158, %add3A_209 : i32
      %add3A_211 = arith.constant 1 : i32
      %add3A_212 = arith.addi %add3A_210, %add3A_211 : i32
      %mul3A_213 = arith.constant 128 : i32
      %mul3A_214 = arith.muli %add3A_212, %mul3A_213 : i32
      %add3A_215 = arith.addi %mul3A_2, %mul3A_214 : i32
      %dma_start3A_216 = arith.constant 1 : i32
      %dma_start3A_217 = arith.constant 0 : i32
      %dma_start3A_218 = arith.constant 0 : i32
      %dma_start3A_219 = tpu.memref_slice %arg6[%dma_start3A_216, %dma_start3A_217, %dma_start3A_218] : memref<5x128x128xf32, #tpu.memory_space<vmem>> -> memref<1x128x128xf32, #tpu.memory_space<vmem>>
      %dma_start3A_220 = tpu.memref_squeeze %dma_start3A_219 : memref<1x128x128xf32, #tpu.memory_space<vmem>> -> memref<128x128xf32, #tpu.memory_space<vmem>>
      %dma_start3A_221 = arith.constant 0 : i32
      %dma_start3A_222 = tpu.memref_slice %arg4[%add3A_215, %dma_start3A_221] : memref<819200x128xf32, #tpu.memory_space<hbm>> -> memref<128x128xf32, #tpu.memory_space<hbm>>
      %dma_start3A_223 = arith.constant 0 : i32
      %dma_start3A_224 = tpu.memref_slice %arg4[%add3A_215, %dma_start3A_223] : memref<819200x128xf32, #tpu.memory_space<hbm>> -> memref<128x128xf32, #tpu.memory_space<hbm>>
      %dma_start3A_225 = arith.constant 0 : i32
      %dma_start3A_226 = arith.constant 0 : i32
      %dma_start3A_227 = tpu.memref_slice %arg6[%dma_start3A_216, %dma_start3A_225, %dma_start3A_226] : memref<5x128x128xf32, #tpu.memory_space<vmem>> -> memref<1x128x128xf32, #tpu.memory_space<vmem>>
      %dma_start3A_228 = tpu.memref_squeeze %dma_start3A_227 : memref<1x128x128xf32, #tpu.memory_space<vmem>> -> memref<128x128xf32, #tpu.memory_space<vmem>>
      tpu.enqueue_dma source(%dma_start3A_228 : memref<128x128xf32, #tpu.memory_space<vmem>>) target(%dma_start3A_224 : memref<128x128xf32, #tpu.memory_space<hbm>>) target_semaphore(%arg13 : memref<!tpu.dma_semaphore, #tpu.memory_space<semaphore_mem>>)
      %dma_wait3A_229 = arith.constant 2 : i32
      %dma_wait3A_230 = arith.constant 0 : i32
      %dma_wait3A_231 = arith.constant 0 : i32
      %dma_wait3A_232 = tpu.memref_slice %arg6[%dma_wait3A_229, %dma_wait3A_230, %dma_wait3A_231] : memref<5x128x128xf32, #tpu.memory_space<vmem>> -> memref<1x128x128xf32, #tpu.memory_space<vmem>>
      %dma_wait3A_233 = tpu.memref_squeeze %dma_wait3A_232 : memref<1x128x128xf32, #tpu.memory_space<vmem>> -> memref<128x128xf32, #tpu.memory_space<vmem>>
      %dma_wait3A_234 = arith.constant 0 : i32
      %dma_wait3A_235 = arith.constant 0 : i32
      %dma_wait3A_236 = tpu.memref_slice %arg2[%dma_wait3A_234, %dma_wait3A_235] : memref<100000x128xf32, #tpu.memory_space<hbm>> -> memref<128x128xf32, #tpu.memory_space<hbm>>
      %dma_wait3A_237 = arith.constant 0 : i32
      %dma_wait3A_238 = arith.constant 0 : i32
      %dma_wait3A_239 = tpu.memref_slice %arg6[%dma_wait3A_229, %dma_wait3A_237, %dma_wait3A_238] : memref<5x128x128xf32, #tpu.memory_space<vmem>> -> memref<1x128x128xf32, #tpu.memory_space<vmem>>
      %dma_wait3A_240 = tpu.memref_squeeze %dma_wait3A_239 : memref<1x128x128xf32, #tpu.memory_space<vmem>> -> memref<128x128xf32, #tpu.memory_space<vmem>>
      %dma_wait3A_241 = arith.constant 0 : i32
      %dma_wait3A_242 = arith.constant 0 : i32
      %dma_wait3A_243 = tpu.memref_slice %arg2[%dma_wait3A_241, %dma_wait3A_242] : memref<100000x128xf32, #tpu.memory_space<hbm>> -> memref<128x128xf32, #tpu.memory_space<hbm>>
      tpu.wait_dma2 semaphore(%arg14 : memref<!tpu.dma_semaphore, #tpu.memory_space<semaphore_mem>>) src(%dma_wait3A_243 : memref<128x128xf32, #tpu.memory_space<hbm>>) dst(%dma_wait3A_240 : memref<128x128xf32, #tpu.memory_space<vmem>>)
      %add3A_244 = arith.constant 5 : i32
      %add3A_245 = arith.addi %mul3A_158, %add3A_244 : i32
      %add3A_246 = arith.constant 2 : i32
      %add3A_247 = arith.addi %add3A_245, %add3A_246 : i32
      %mul3A_248 = arith.constant 128 : i32
      %mul3A_249 = arith.muli %add3A_247, %mul3A_248 : i32
      %add3A_250 = arith.addi %mul3A_2, %mul3A_249 : i32
      %dma_start3A_251 = arith.constant 2 : i32
      %dma_start3A_252 = arith.constant 0 : i32
      %dma_start3A_253 = arith.constant 0 : i32
      %dma_start3A_254 = tpu.memref_slice %arg6[%dma_start3A_251, %dma_start3A_252, %dma_start3A_253] : memref<5x128x128xf32, #tpu.memory_space<vmem>> -> memref<1x128x128xf32, #tpu.memory_space<vmem>>
      %dma_start3A_255 = tpu.memref_squeeze %dma_start3A_254 : memref<1x128x128xf32, #tpu.memory_space<vmem>> -> memref<128x128xf32, #tpu.memory_space<vmem>>
      %dma_start3A_256 = arith.constant 0 : i32
      %dma_start3A_257 = tpu.memref_slice %arg4[%add3A_250, %dma_start3A_256] : memref<819200x128xf32, #tpu.memory_space<hbm>> -> memref<128x128xf32, #tpu.memory_space<hbm>>
      %dma_start3A_258 = arith.constant 0 : i32
      %dma_start3A_259 = tpu.memref_slice %arg4[%add3A_250, %dma_start3A_258] : memref<819200x128xf32, #tpu.memory_space<hbm>> -> memref<128x128xf32, #tpu.memory_space<hbm>>
      %dma_start3A_260 = arith.constant 0 : i32
      %dma_start3A_261 = arith.constant 0 : i32
      %dma_start3A_262 = tpu.memref_slice %arg6[%dma_start3A_251, %dma_start3A_260, %dma_start3A_261] : memref<5x128x128xf32, #tpu.memory_space<vmem>> -> memref<1x128x128xf32, #tpu.memory_space<vmem>>
      %dma_start3A_263 = tpu.memref_squeeze %dma_start3A_262 : memref<1x128x128xf32, #tpu.memory_space<vmem>> -> memref<128x128xf32, #tpu.memory_space<vmem>>
      tpu.enqueue_dma source(%dma_start3A_263 : memref<128x128xf32, #tpu.memory_space<vmem>>) target(%dma_start3A_259 : memref<128x128xf32, #tpu.memory_space<hbm>>) target_semaphore(%arg14 : memref<!tpu.dma_semaphore, #tpu.memory_space<semaphore_mem>>)
      %dma_wait3A_264 = arith.constant 3 : i32
      %dma_wait3A_265 = arith.constant 0 : i32
      %dma_wait3A_266 = arith.constant 0 : i32
      %dma_wait3A_267 = tpu.memref_slice %arg6[%dma_wait3A_264, %dma_wait3A_265, %dma_wait3A_266] : memref<5x128x128xf32, #tpu.memory_space<vmem>> -> memref<1x128x128xf32, #tpu.memory_space<vmem>>
      %dma_wait3A_268 = tpu.memref_squeeze %dma_wait3A_267 : memref<1x128x128xf32, #tpu.memory_space<vmem>> -> memref<128x128xf32, #tpu.memory_space<vmem>>
      %dma_wait3A_269 = arith.constant 0 : i32
      %dma_wait3A_270 = arith.constant 0 : i32
      %dma_wait3A_271 = tpu.memref_slice %arg2[%dma_wait3A_269, %dma_wait3A_270] : memref<100000x128xf32, #tpu.memory_space<hbm>> -> memref<128x128xf32, #tpu.memory_space<hbm>>
      %dma_wait3A_272 = arith.constant 0 : i32
      %dma_wait3A_273 = arith.constant 0 : i32
      %dma_wait3A_274 = tpu.memref_slice %arg6[%dma_wait3A_264, %dma_wait3A_272, %dma_wait3A_273] : memref<5x128x128xf32, #tpu.memory_space<vmem>> -> memref<1x128x128xf32, #tpu.memory_space<vmem>>
      %dma_wait3A_275 = tpu.memref_squeeze %dma_wait3A_274 : memref<1x128x128xf32, #tpu.memory_space<vmem>> -> memref<128x128xf32, #tpu.memory_space<vmem>>
      %dma_wait3A_276 = arith.constant 0 : i32
      %dma_wait3A_277 = arith.constant 0 : i32
      %dma_wait3A_278 = tpu.memref_slice %arg2[%dma_wait3A_276, %dma_wait3A_277] : memref<100000x128xf32, #tpu.memory_space<hbm>> -> memref<128x128xf32, #tpu.memory_space<hbm>>
      tpu.wait_dma2 semaphore(%arg15 : memref<!tpu.dma_semaphore, #tpu.memory_space<semaphore_mem>>) src(%dma_wait3A_278 : memref<128x128xf32, #tpu.memory_space<hbm>>) dst(%dma_wait3A_275 : memref<128x128xf32, #tpu.memory_space<vmem>>)
      %add3A_279 = arith.constant 5 : i32
      %add3A_280 = arith.addi %mul3A_158, %add3A_279 : i32
      %add3A_281 = arith.constant 3 : i32
      %add3A_282 = arith.addi %add3A_280, %add3A_281 : i32
      %mul3A_283 = arith.constant 128 : i32
      %mul3A_284 = arith.muli %add3A_282, %mul3A_283 : i32
      %add3A_285 = arith.addi %mul3A_2, %mul3A_284 : i32
      %dma_start3A_286 = arith.constant 3 : i32
      %dma_start3A_287 = arith.constant 0 : i32
      %dma_start3A_288 = arith.constant 0 : i32
      %dma_start3A_289 = tpu.memref_slice %arg6[%dma_start3A_286, %dma_start3A_287, %dma_start3A_288] : memref<5x128x128xf32, #tpu.memory_space<vmem>> -> memref<1x128x128xf32, #tpu.memory_space<vmem>>
      %dma_start3A_290 = tpu.memref_squeeze %dma_start3A_289 : memref<1x128x128xf32, #tpu.memory_space<vmem>> -> memref<128x128xf32, #tpu.memory_space<vmem>>
      %dma_start3A_291 = arith.constant 0 : i32
      %dma_start3A_292 = tpu.memref_slice %arg4[%add3A_285, %dma_start3A_291] : memref<819200x128xf32, #tpu.memory_space<hbm>> -> memref<128x128xf32, #tpu.memory_space<hbm>>
      %dma_start3A_293 = arith.constant 0 : i32
      %dma_start3A_294 = tpu.memref_slice %arg4[%add3A_285, %dma_start3A_293] : memref<819200x128xf32, #tpu.memory_space<hbm>> -> memref<128x128xf32, #tpu.memory_space<hbm>>
      %dma_start3A_295 = arith.constant 0 : i32
      %dma_start3A_296 = arith.constant 0 : i32
      %dma_start3A_297 = tpu.memref_slice %arg6[%dma_start3A_286, %dma_start3A_295, %dma_start3A_296] : memref<5x128x128xf32, #tpu.memory_space<vmem>> -> memref<1x128x128xf32, #tpu.memory_space<vmem>>
      %dma_start3A_298 = tpu.memref_squeeze %dma_start3A_297 : memref<1x128x128xf32, #tpu.memory_space<vmem>> -> memref<128x128xf32, #tpu.memory_space<vmem>>
      tpu.enqueue_dma source(%dma_start3A_298 : memref<128x128xf32, #tpu.memory_space<vmem>>) target(%dma_start3A_294 : memref<128x128xf32, #tpu.memory_space<hbm>>) target_semaphore(%arg15 : memref<!tpu.dma_semaphore, #tpu.memory_space<semaphore_mem>>)
      %dma_wait3A_299 = arith.constant 4 : i32
      %dma_wait3A_300 = arith.constant 0 : i32
      %dma_wait3A_301 = arith.constant 0 : i32
      %dma_wait3A_302 = tpu.memref_slice %arg6[%dma_wait3A_299, %dma_wait3A_300, %dma_wait3A_301] : memref<5x128x128xf32, #tpu.memory_space<vmem>> -> memref<1x128x128xf32, #tpu.memory_space<vmem>>
      %dma_wait3A_303 = tpu.memref_squeeze %dma_wait3A_302 : memref<1x128x128xf32, #tpu.memory_space<vmem>> -> memref<128x128xf32, #tpu.memory_space<vmem>>
      %dma_wait3A_304 = arith.constant 0 : i32
      %dma_wait3A_305 = arith.constant 0 : i32
      %dma_wait3A_306 = tpu.memref_slice %arg2[%dma_wait3A_304, %dma_wait3A_305] : memref<100000x128xf32, #tpu.memory_space<hbm>> -> memref<128x128xf32, #tpu.memory_space<hbm>>
      %dma_wait3A_307 = arith.constant 0 : i32
      %dma_wait3A_308 = arith.constant 0 : i32
      %dma_wait3A_309 = tpu.memref_slice %arg6[%dma_wait3A_299, %dma_wait3A_307, %dma_wait3A_308] : memref<5x128x128xf32, #tpu.memory_space<vmem>> -> memref<1x128x128xf32, #tpu.memory_space<vmem>>
      %dma_wait3A_310 = tpu.memref_squeeze %dma_wait3A_309 : memref<1x128x128xf32, #tpu.memory_space<vmem>> -> memref<128x128xf32, #tpu.memory_space<vmem>>
      %dma_wait3A_311 = arith.constant 0 : i32
      %dma_wait3A_312 = arith.constant 0 : i32
      %dma_wait3A_313 = tpu.memref_slice %arg2[%dma_wait3A_311, %dma_wait3A_312] : memref<100000x128xf32, #tpu.memory_space<hbm>> -> memref<128x128xf32, #tpu.memory_space<hbm>>
      tpu.wait_dma2 semaphore(%arg16 : memref<!tpu.dma_semaphore, #tpu.memory_space<semaphore_mem>>) src(%dma_wait3A_313 : memref<128x128xf32, #tpu.memory_space<hbm>>) dst(%dma_wait3A_310 : memref<128x128xf32, #tpu.memory_space<vmem>>)
      %add3A_314 = arith.constant 5 : i32
      %add3A_315 = arith.addi %mul3A_158, %add3A_314 : i32
      %add3A_316 = arith.constant 4 : i32
      %add3A_317 = arith.addi %add3A_315, %add3A_316 : i32
      %mul3A_318 = arith.constant 128 : i32
      %mul3A_319 = arith.muli %add3A_317, %mul3A_318 : i32
      %add3A_320 = arith.addi %mul3A_2, %mul3A_319 : i32
      %dma_start3A_321 = arith.constant 4 : i32
      %dma_start3A_322 = arith.constant 0 : i32
      %dma_start3A_323 = arith.constant 0 : i32
      %dma_start3A_324 = tpu.memref_slice %arg6[%dma_start3A_321, %dma_start3A_322, %dma_start3A_323] : memref<5x128x128xf32, #tpu.memory_space<vmem>> -> memref<1x128x128xf32, #tpu.memory_space<vmem>>
      %dma_start3A_325 = tpu.memref_squeeze %dma_start3A_324 : memref<1x128x128xf32, #tpu.memory_space<vmem>> -> memref<128x128xf32, #tpu.memory_space<vmem>>
      %dma_start3A_326 = arith.constant 0 : i32
      %dma_start3A_327 = tpu.memref_slice %arg4[%add3A_320, %dma_start3A_326] : memref<819200x128xf32, #tpu.memory_space<hbm>> -> memref<128x128xf32, #tpu.memory_space<hbm>>
      %dma_start3A_328 = arith.constant 0 : i32
      %dma_start3A_329 = tpu.memref_slice %arg4[%add3A_320, %dma_start3A_328] : memref<819200x128xf32, #tpu.memory_space<hbm>> -> memref<128x128xf32, #tpu.memory_space<hbm>>
      %dma_start3A_330 = arith.constant 0 : i32
      %dma_start3A_331 = arith.constant 0 : i32
      %dma_start3A_332 = tpu.memref_slice %arg6[%dma_start3A_321, %dma_start3A_330, %dma_start3A_331] : memref<5x128x128xf32, #tpu.memory_space<vmem>> -> memref<1x128x128xf32, #tpu.memory_space<vmem>>
      %dma_start3A_333 = tpu.memref_squeeze %dma_start3A_332 : memref<1x128x128xf32, #tpu.memory_space<vmem>> -> memref<128x128xf32, #tpu.memory_space<vmem>>
      tpu.enqueue_dma source(%dma_start3A_333 : memref<128x128xf32, #tpu.memory_space<vmem>>) target(%dma_start3A_329 : memref<128x128xf32, #tpu.memory_space<hbm>>) target_semaphore(%arg16 : memref<!tpu.dma_semaphore, #tpu.memory_space<semaphore_mem>>)
    }
    %scan3A_81 = arith.constant 39 : i32
    %dma_wait3A = arith.constant 0 : i32
    %dma_wait3A_82 = arith.constant 0 : i32
    %dma_wait3A_83 = arith.constant 0 : i32
    %dma_wait3A_84 = tpu.memref_slice %arg6[%dma_wait3A, %dma_wait3A_82, %dma_wait3A_83] : memref<5x128x128xf32, #tpu.memory_space<vmem>> -> memref<1x128x128xf32, #tpu.memory_space<vmem>>
    %dma_wait3A_85 = tpu.memref_squeeze %dma_wait3A_84 : memref<1x128x128xf32, #tpu.memory_space<vmem>> -> memref<128x128xf32, #tpu.memory_space<vmem>>
    %dma_wait3A_86 = arith.constant 0 : i32
    %dma_wait3A_87 = arith.constant 0 : i32
    %dma_wait3A_88 = tpu.memref_slice %arg2[%dma_wait3A_86, %dma_wait3A_87] : memref<100000x128xf32, #tpu.memory_space<hbm>> -> memref<128x128xf32, #tpu.memory_space<hbm>>
    %dma_wait3A_89 = arith.constant 0 : i32
    %dma_wait3A_90 = arith.constant 0 : i32
    %dma_wait3A_91 = tpu.memref_slice %arg6[%dma_wait3A, %dma_wait3A_89, %dma_wait3A_90] : memref<5x128x128xf32, #tpu.memory_space<vmem>> -> memref<1x128x128xf32, #tpu.memory_space<vmem>>
    %dma_wait3A_92 = tpu.memref_squeeze %dma_wait3A_91 : memref<1x128x128xf32, #tpu.memory_space<vmem>> -> memref<128x128xf32, #tpu.memory_space<vmem>>
    %dma_wait3A_93 = arith.constant 0 : i32
    %dma_wait3A_94 = arith.constant 0 : i32
    %dma_wait3A_95 = tpu.memref_slice %arg2[%dma_wait3A_93, %dma_wait3A_94] : memref<100000x128xf32, #tpu.memory_space<hbm>> -> memref<128x128xf32, #tpu.memory_space<hbm>>
    tpu.wait_dma2 semaphore(%arg12 : memref<!tpu.dma_semaphore, #tpu.memory_space<semaphore_mem>>) src(%dma_wait3A_95 : memref<128x128xf32, #tpu.memory_space<hbm>>) dst(%dma_wait3A_92 : memref<128x128xf32, #tpu.memory_space<vmem>>)
    %dma_wait3A_96 = arith.constant 1 : i32
    %dma_wait3A_97 = arith.constant 0 : i32
    %dma_wait3A_98 = arith.constant 0 : i32
    %dma_wait3A_99 = tpu.memref_slice %arg6[%dma_wait3A_96, %dma_wait3A_97, %dma_wait3A_98] : memref<5x128x128xf32, #tpu.memory_space<vmem>> -> memref<1x128x128xf32, #tpu.memory_space<vmem>>
    %dma_wait3A_100 = tpu.memref_squeeze %dma_wait3A_99 : memref<1x128x128xf32, #tpu.memory_space<vmem>> -> memref<128x128xf32, #tpu.memory_space<vmem>>
    %dma_wait3A_101 = arith.constant 0 : i32
    %dma_wait3A_102 = arith.constant 0 : i32
    %dma_wait3A_103 = tpu.memref_slice %arg2[%dma_wait3A_101, %dma_wait3A_102] : memref<100000x128xf32, #tpu.memory_space<hbm>> -> memref<128x128xf32, #tpu.memory_space<hbm>>
    %dma_wait3A_104 = arith.constant 0 : i32
    %dma_wait3A_105 = arith.constant 0 : i32
    %dma_wait3A_106 = tpu.memref_slice %arg6[%dma_wait3A_96, %dma_wait3A_104, %dma_wait3A_105] : memref<5x128x128xf32, #tpu.memory_space<vmem>> -> memref<1x128x128xf32, #tpu.memory_space<vmem>>
    %dma_wait3A_107 = tpu.memref_squeeze %dma_wait3A_106 : memref<1x128x128xf32, #tpu.memory_space<vmem>> -> memref<128x128xf32, #tpu.memory_space<vmem>>
    %dma_wait3A_108 = arith.constant 0 : i32
    %dma_wait3A_109 = arith.constant 0 : i32
    %dma_wait3A_110 = tpu.memref_slice %arg2[%dma_wait3A_108, %dma_wait3A_109] : memref<100000x128xf32, #tpu.memory_space<hbm>> -> memref<128x128xf32, #tpu.memory_space<hbm>>
    tpu.wait_dma2 semaphore(%arg13 : memref<!tpu.dma_semaphore, #tpu.memory_space<semaphore_mem>>) src(%dma_wait3A_110 : memref<128x128xf32, #tpu.memory_space<hbm>>) dst(%dma_wait3A_107 : memref<128x128xf32, #tpu.memory_space<vmem>>)
    %dma_wait3A_111 = arith.constant 2 : i32
    %dma_wait3A_112 = arith.constant 0 : i32
    %dma_wait3A_113 = arith.constant 0 : i32
    %dma_wait3A_114 = tpu.memref_slice %arg6[%dma_wait3A_111, %dma_wait3A_112, %dma_wait3A_113] : memref<5x128x128xf32, #tpu.memory_space<vmem>> -> memref<1x128x128xf32, #tpu.memory_space<vmem>>
    %dma_wait3A_115 = tpu.memref_squeeze %dma_wait3A_114 : memref<1x128x128xf32, #tpu.memory_space<vmem>> -> memref<128x128xf32, #tpu.memory_space<vmem>>
    %dma_wait3A_116 = arith.constant 0 : i32
    %dma_wait3A_117 = arith.constant 0 : i32
    %dma_wait3A_118 = tpu.memref_slice %arg2[%dma_wait3A_116, %dma_wait3A_117] : memref<100000x128xf32, #tpu.memory_space<hbm>> -> memref<128x128xf32, #tpu.memory_space<hbm>>
    %dma_wait3A_119 = arith.constant 0 : i32
    %dma_wait3A_120 = arith.constant 0 : i32
    %dma_wait3A_121 = tpu.memref_slice %arg6[%dma_wait3A_111, %dma_wait3A_119, %dma_wait3A_120] : memref<5x128x128xf32, #tpu.memory_space<vmem>> -> memref<1x128x128xf32, #tpu.memory_space<vmem>>
    %dma_wait3A_122 = tpu.memref_squeeze %dma_wait3A_121 : memref<1x128x128xf32, #tpu.memory_space<vmem>> -> memref<128x128xf32, #tpu.memory_space<vmem>>
    %dma_wait3A_123 = arith.constant 0 : i32
    %dma_wait3A_124 = arith.constant 0 : i32
    %dma_wait3A_125 = tpu.memref_slice %arg2[%dma_wait3A_123, %dma_wait3A_124] : memref<100000x128xf32, #tpu.memory_space<hbm>> -> memref<128x128xf32, #tpu.memory_space<hbm>>
    tpu.wait_dma2 semaphore(%arg14 : memref<!tpu.dma_semaphore, #tpu.memory_space<semaphore_mem>>) src(%dma_wait3A_125 : memref<128x128xf32, #tpu.memory_space<hbm>>) dst(%dma_wait3A_122 : memref<128x128xf32, #tpu.memory_space<vmem>>)
    %dma_wait3A_126 = arith.constant 3 : i32
    %dma_wait3A_127 = arith.constant 0 : i32
    %dma_wait3A_128 = arith.constant 0 : i32
    %dma_wait3A_129 = tpu.memref_slice %arg6[%dma_wait3A_126, %dma_wait3A_127, %dma_wait3A_128] : memref<5x128x128xf32, #tpu.memory_space<vmem>> -> memref<1x128x128xf32, #tpu.memory_space<vmem>>
    %dma_wait3A_130 = tpu.memref_squeeze %dma_wait3A_129 : memref<1x128x128xf32, #tpu.memory_space<vmem>> -> memref<128x128xf32, #tpu.memory_space<vmem>>
    %dma_wait3A_131 = arith.constant 0 : i32
    %dma_wait3A_132 = arith.constant 0 : i32
    %dma_wait3A_133 = tpu.memref_slice %arg2[%dma_wait3A_131, %dma_wait3A_132] : memref<100000x128xf32, #tpu.memory_space<hbm>> -> memref<128x128xf32, #tpu.memory_space<hbm>>
    %dma_wait3A_134 = arith.constant 0 : i32
    %dma_wait3A_135 = arith.constant 0 : i32
    %dma_wait3A_136 = tpu.memref_slice %arg6[%dma_wait3A_126, %dma_wait3A_134, %dma_wait3A_135] : memref<5x128x128xf32, #tpu.memory_space<vmem>> -> memref<1x128x128xf32, #tpu.memory_space<vmem>>
    %dma_wait3A_137 = tpu.memref_squeeze %dma_wait3A_136 : memref<1x128x128xf32, #tpu.memory_space<vmem>> -> memref<128x128xf32, #tpu.memory_space<vmem>>
    %dma_wait3A_138 = arith.constant 0 : i32
    %dma_wait3A_139 = arith.constant 0 : i32
    %dma_wait3A_140 = tpu.memref_slice %arg2[%dma_wait3A_138, %dma_wait3A_139] : memref<100000x128xf32, #tpu.memory_space<hbm>> -> memref<128x128xf32, #tpu.memory_space<hbm>>
    tpu.wait_dma2 semaphore(%arg15 : memref<!tpu.dma_semaphore, #tpu.memory_space<semaphore_mem>>) src(%dma_wait3A_140 : memref<128x128xf32, #tpu.memory_space<hbm>>) dst(%dma_wait3A_137 : memref<128x128xf32, #tpu.memory_space<vmem>>)
    %dma_wait3A_141 = arith.constant 4 : i32
    %dma_wait3A_142 = arith.constant 0 : i32
    %dma_wait3A_143 = arith.constant 0 : i32
    %dma_wait3A_144 = tpu.memref_slice %arg6[%dma_wait3A_141, %dma_wait3A_142, %dma_wait3A_143] : memref<5x128x128xf32, #tpu.memory_space<vmem>> -> memref<1x128x128xf32, #tpu.memory_space<vmem>>
    %dma_wait3A_145 = tpu.memref_squeeze %dma_wait3A_144 : memref<1x128x128xf32, #tpu.memory_space<vmem>> -> memref<128x128xf32, #tpu.memory_space<vmem>>
    %dma_wait3A_146 = arith.constant 0 : i32
    %dma_wait3A_147 = arith.constant 0 : i32
    %dma_wait3A_148 = tpu.memref_slice %arg2[%dma_wait3A_146, %dma_wait3A_147] : memref<100000x128xf32, #tpu.memory_space<hbm>> -> memref<128x128xf32, #tpu.memory_space<hbm>>
    %dma_wait3A_149 = arith.constant 0 : i32
    %dma_wait3A_150 = arith.constant 0 : i32
    %dma_wait3A_151 = tpu.memref_slice %arg6[%dma_wait3A_141, %dma_wait3A_149, %dma_wait3A_150] : memref<5x128x128xf32, #tpu.memory_space<vmem>> -> memref<1x128x128xf32, #tpu.memory_space<vmem>>
    %dma_wait3A_152 = tpu.memref_squeeze %dma_wait3A_151 : memref<1x128x128xf32, #tpu.memory_space<vmem>> -> memref<128x128xf32, #tpu.memory_space<vmem>>
    %dma_wait3A_153 = arith.constant 0 : i32
    %dma_wait3A_154 = arith.constant 0 : i32
    %dma_wait3A_155 = tpu.memref_slice %arg2[%dma_wait3A_153, %dma_wait3A_154] : memref<100000x128xf32, #tpu.memory_space<hbm>> -> memref<128x128xf32, #tpu.memory_space<hbm>>
    tpu.wait_dma2 semaphore(%arg16 : memref<!tpu.dma_semaphore, #tpu.memory_space<semaphore_mem>>) src(%dma_wait3A_155 : memref<128x128xf32, #tpu.memory_space<hbm>>) dst(%dma_wait3A_152 : memref<128x128xf32, #tpu.memory_space<vmem>>)
    return
  }
}

</mosaic_0001>

<sc_bundles>
// kernel: _gather.3.cloned.1.call-start
scs
__scs_entry_jumppad:
0x0: {  	(pc) =	sbr.rel $0x88, $3  }
0x1: {  	(tag) =	ssettag $0x0;
	lr =	simm.s32 $0x1  }
0x2: {  	[smem:$0x3F9F] =	sst lr;
	_ =	strace $0xD0000000  }
0x3: {  	_ = 	snop  }
0x4: {  	_ = 	snop  }
0x5: {  	_ = 	snop  }
0x6: {  	_ = 	snop  }
0x7: {  	_ = 	snop  }
__scs_overlays_trampoline_lowered:
0x8: {  	[smem:$0x3FAE] =	sst s0  }
0x9: {  	[smem:$0x3FAF] =	sst s1  }
0xa: {  	[smem:$0x3FB0] =	sst s2  }
0xb: {  	[smem:$0x3FB1] =	sst s3  }
0xc: {  	[smem:$0x3FB2] =	sst s4  }
0xd: {  	[smem:$0x3FB3] =	sst s5  }
0xe: {  	[smem:$0x3FB4] =	sst s6  }
0xf: {  	[smem:$0x3FB5] =	sst s7  }
0x10: {  	[smem:$0x3FB6] =	sst s8  }
0x11: {  	[smem:$0x3FB7] =	sst s9;
	s0 =	simm.s32 @!p0 $0x0  }
0x12: {  	s1 =	sld [smem:$0x3F9D];
	s0 =	simm.s32 @p0 $0x1  }
0x13: {  	[smem:$0x3FB8] =	sst s0;
	s0 =	simm.s32 @!p1 $0x0  }
0x14: {  	s2 =	sld [smem:$0x3F9C];
	s0 =	simm.s32 @p1 $0x1  }
0x15: {  	[smem:$0x3FB9] =	sst s0;
	s0 =	simm.s32 @!p2 $0x0  }
0x16: {  	s3 =	sld [smem:$0x3FDB];
	s0 =	simm.s32 @p2 $0x1  }
0x17: {  	s4 =	simm.s32 $0x1BF5;
	[smem:$0x3FBB] =	sst s0  }
0x18: {  	s0 =	sld [smem:$0x3F9E];
	_ =	swait.ge [sflag:s4], $0x0  }
0x19: {  	s7 =	sld [smem:$0x3F9F]  }
0x1a: {  	s8 =	sadd.s32 $0xFFFFE003, lr  }
0x1b: {  	s9 =	sadd.s32 $0xFFFFFEF7, lr;
	s5 =	simm.s32 $0xFFFFFFFF;
	p2 =	slt.u32 s8, $0xFFFFF086  }
0x1c: {  	p1 =	slt.u32 s9, $0xF7A;
	s5 =	simm.s32 @!p2 $0x0  }
0x1d: {  	s5 =	simm.s32 @p1 $0x1;
	p0 =	seq.s32 s7, s2  }
0x1e: {  	s7 =	smul.u32 @!p0 $0xF7A, s2;
	p2 =	seq.s32 @!p0 s5, $0x0  }
0x1f: {  	s9 =	smul.u32 $0xF7A, s1;
	s8 =	simm.s32 @!p0 $0x1BF5;
	p2 =	por !p2, p0  }
0x20: {  	[sflag:s8] =	ssyncset.s32 @!p0 $0xFFFFF086;
	s6 =	sadd.s32 @!p0 s3, s7;
	s7 =	simm.s32 @!p0 $0x108  }
0x21: {  	s3 =	sadd.s32 s3, s9;
	s6 =	sadd.s32 @!p0 $0x88, s6;
	s7 =	simm.s32 @p2 $0x1082  }
0x22: {  	[simem:s7], [sflag:s8] =	dma.local @!p0 [hbm:s6], $0xF7A  }
0x23: {  	s9 =	sor.u32 $0xD0000000, s2;
	s6 =	simm.s32 $0x108;
	_ =	swait.ge @!p0 [sflag:s8], $0x0  }
0x24: {  	s3 =	sadd.s32 $0x88, s3;
	s6 =	simm.s32 @!p1 $0x1082;
	[sflag:s4] =	ssyncset.s32 $0xFFFFF086  }
0x25: {  	[simem:s6], [sflag:s4] =	dma.local [hbm:s3], $0xF7A  }
0x26: {  	[smem:$0x3F9F] =	sst s1;
	(tag) =	ssettag s2;
	_ =	strace s9  }
0x27: {  	s1 =	sld [smem:$0x3FAF]  }
0x28: {  	s2 =	sld [smem:$0x3FB0]  }
0x29: {  	s4 =	sld [smem:$0x3FB2]  }
0x2a: {  	p0 =	seq.s32 s5, $0x0;
	s5 =	sld [smem:$0x3FB3]  }
0x2b: {  	s6 =	sld [smem:$0x3FB4]  }
0x2c: {  	s7 =	sld [smem:$0x3FB5]  }
0x2d: {  	s3 =	simm.s32 $0x108;
	s8 =	sld [smem:$0x3FB6]  }
0x2e: {  	s3 =	simm.s32 @!p0 $0x1082;
	s9 =	sld [smem:$0x3FB7]  }
0x2f: {  	lr =	sadd.s32 s0, s3;
	s0 =	sld [smem:$0x3FAE]  }
0x30: {  	s3 =	sld [smem:$0x3FB1]  }
0x31: {  	[smem:$0x3FBA] =	sst s10  }
0x32: {  	s10 =	sld [smem:$0x3FB8];
	_ =	sdelay $0x3  }
0x33: {  	p0 =	seq.s32 s10, $0x1;
	s10 =	sld [smem:$0x3FBA];
	_ =	sdelay $0x3  }
0x34: {  	[smem:$0x3FBA] =	sst s10  }
0x35: {  	s10 =	sld [smem:$0x3FB9];
	_ =	sdelay $0x3  }
0x36: {  	p1 =	seq.s32 s10, $0x1;
	s10 =	sld [smem:$0x3FBA];
	_ =	sdelay $0x3  }
0x37: {  	[smem:$0x3FBA] =	sst s10  }
0x38: {  	s10 =	sld [smem:$0x3FBB]  }
0x39: {  	_ = 	snop;
	(pc) =	sbr.ind lr, $3  }
0x3a: {  	_ = 	snop  }
0x3b: {  	_ = 	snop  }
0x3c: {  	p2 =	seq.s32 s10, $0x1;
	s10 =	sld [smem:$0x3FBA]  }
0x3d: {  	_ =	shalt  }
0x3e: {  	_ =	shalt  }
0x3f: {  	_ =	shalt  }
0x40: {  	_ =	shalt  }
0x41: {  	_ =	shalt  }
0x42: {  	_ =	shalt  }
0x43: {  	_ =	shalt  }
0x44: {  	_ =	shalt  }
0x45: {  	_ =	shalt  }
0x46: {  	_ =	shalt  }
0x47: {  	_ =	shalt  }
0x48: {  	_ =	shalt  }
0x49: {  	_ =	shalt  }
0x4a: {  	_ =	shalt  }
0x4b: {  	_ =	shalt  }
0x4c: {  	_ =	shalt  }
0x4d: {  	_ =	shalt  }
0x4e: {  	_ =	shalt  }
0x4f: {  	_ =	shalt  }
0x50: {  	_ =	shalt  }
0x51: {  	_ =	shalt  }
0x52: {  	_ =	shalt  }
0x53: {  	_ =	shalt  }
0x54: {  	_ =	shalt  }
0x55: {  	_ =	shalt  }
0x56: {  	_ =	shalt  }
0x57: {  	_ =	shalt  }
0x58: {  	_ =	shalt  }
0x59: {  	_ =	shalt  }
0x5a: {  	_ =	shalt  }
0x5b: {  	_ =	shalt  }
0x5c: {  	_ =	shalt  }
0x5d: {  	_ =	shalt  }
0x5e: {  	_ =	shalt  }
0x5f: {  	_ =	shalt  }
0x60: {  	_ =	shalt  }
0x61: {  	_ =	shalt  }
0x62: {  	_ =	shalt  }
0x63: {  	_ =	shalt  }
0x64: {  	_ =	shalt  }
0x65: {  	_ =	shalt  }
0x66: {  	_ =	shalt  }
0x67: {  	_ =	shalt  }
0x68: {  	_ =	shalt  }
0x69: {  	_ =	shalt  }
0x6a: {  	_ =	shalt  }
0x6b: {  	_ =	shalt  }
0x6c: {  	_ =	shalt  }
0x6d: {  	_ =	shalt  }
0x6e: {  	_ =	shalt  }
0x6f: {  	_ =	shalt  }
0x70: {  	_ =	shalt  }
0x71: {  	_ =	shalt  }
0x72: {  	_ =	shalt  }
0x73: {  	_ =	shalt  }
0x74: {  	_ =	shalt  }
0x75: {  	_ =	shalt  }
0x76: {  	_ =	shalt  }
0x77: {  	_ =	shalt  }
0x78: {  	_ =	shalt  }
0x79: {  	_ =	shalt  }
0x7a: {  	_ =	shalt  }
0x7b: {  	_ =	shalt  }
0x7c: {  	_ =	shalt  }
0x7d: {  	_ =	shalt  }
0x7e: {  	_ =	shalt  }
0x7f: {  	_ =	shalt  }
0x80: {  	_ =	shalt  }
0x81: {  	_ =	shalt  }
0x82: {  	_ =	shalt  }
0x83: {  	_ =	shalt  }
0x84: {  	_ =	shalt  }
0x85: {  	_ =	shalt  }
0x86: {  	_ =	shalt  }
0x87: {  	_ =	shalt  }
.Lfunc_end0:
.L_simem_size_0:
called_computation_lowered:
.L_overlay_start_0:
0x88: {  	s2 =	sld [smem:$0x3FD9]  }
0x89: {  	s3 =	sld [smem:$0x3FFE];
	_ =	sdelay $0x1  }
0x8a: {  	s1 =	srdreg.scid  }
0x8b: {  	s0 =	sand.u32 $0x1, s1  }
0x8c: {  	s18 =	sshll.u32 s0, $0xA;
	s2 =	sadd.s32 s3, s2  }
0x8d: {  	s2 =	sadd.s32 s2, s18  }
0x8e: {  	[smem:$0x3FC6] =	sst s2  }
0x8f: {  	_ = 	snop  }
0x90: {  	s2 =	sld [smem:$0x3FC8]  }
0x91: {  	s19 =	sld [smem:$0x3FD0];
	(tm) =	ssettm $0x1  }
0x92: {  	s4 =	sld [smem:$0x3FFB];
	_ =	sdelay $0x3  }
0x93: {  	_ =	strace s4  }
0x94: {  	s4 =	sld [smem:$0x3FFC];
	_ =	sdelay $0x3  }
0x95: {  	_ =	strace s4  }
0x96: {  	s4 =	sld [smem:$0x3FFD];
	_ =	sdelay $0x3  }
0x97: {  	_ =	strace s4  }
0x98: {  	_ =	strace $0x8FFFFFFF  }
0x99: {  	s20 =	sld [smem:$0x3FDB];
	_ =	sdelay $0x1  }
0x9a: {  	s5 =	simm.s32 $_scs_section_size  }
0x9b: {  	s6 =	simm.s32 $_size__tile_overlayer_lowered;
	s7 =	simm.s32 $_tile_overlayer_lowered  }
0x9c: {  	s23 =	simm.s32 $0x1BFF;
	s22 =	sshll.u32 s7, $0x1;
	s4 =	sadd.s32 s5, s20  }
0x9d: {  	s8 =	simm.s32 $0x0;
	s21 =	sshll.u32 s6, $0x1;
	s6 =	sadd.s32 s22, s4  }
0x9e: {  	[timem:s8], [sflag:s23] =	dma.local [hbm:s6], s21  }
0x9f: {  	_ =	swait.ge [sflag:s23], s21  }
0xa0: {  	s5 =	ssub.s32 $0x0, s21;
	[sflag:s23] =	ssyncset.done $0x0  }
0xa1: {  	[sflag:s23] =	ssyncadd.s32 s5;
	_ =	sdelay $0x1  }
0xa2: {  	s24 =	simm.s32 $0x1B8B  }
0xa3: {  	_ =	swait.ge [sflag:s24], $0x1  }
0xa4: {  	[sflag:s24] =	ssyncset.done $0x0  }
0xa5: {  	s25 =	simm.s32 $0x1B8E;
	[sflag:s24] =	ssyncadd.s32 $0xFFFFFFFF  }
0xa6: {  	s26 =	simm.s32 $execute0_lowered;
	[smem:$0x3FD2] =	sst s25  }
0xa7: {  	s5 =	sshll.u32 s26, $0x1;
	_ =	strace $0x80000046;
	[dreg:$0x1] =	wrdreg $0xFFFFFFFF  }
0xa8: {  	s28 =	simm.s32 $_size_execute0_lowered;
	s4 =	sadd.s32 s4, s5;
	[dreg:$0x0] =	wrdreg $0x0  }
0xa9: {  	s5 =	sshll.u32 s28, $0x1;
	[dreg:$0x2] =	wrdreg s4  }
0xaa: {  	[dreg:$0x3] =	wrdreg s5  }
0xab: {  	[dreg:$0x4] =	wrdreg $0xC0  }
0xac: {  	_ =	task [dreg:s8], $0x5FFFF  }
0xad: {  	[dreg:$0x1] =	wrdreg $0xFFFFFFFF  }
0xae: {  	[dreg:$0x0] =	wrdreg $0x60  }
0xaf: {  	[dreg:$0x2] =	wrdreg s2  }
0xb0: {  	[dreg:$0x3] =	wrdreg s19  }
0xb1: {  	[dreg:$0x4] =	wrdreg $0x9  }
0xb2: {  	_ =	task.clear_ibuf [dreg:s8], $0x5FFFF;
	_ =	strace $0x90000046  }
0xb3: {  	s29 =	simm.s32 $0x9;
	_ =	strace $0x80000048  }
0xb4: {  	_ =	swait.ge [sflag:s29], $0x1  }
0xb5: {  	[sflag:s29] =	ssyncadd.s32 $0xFFFFFFFF  }
0xb6: {  	_ =	strace $0x90000048  }
0xb7: {  	_ =	sfence  }
0xb8: {  	s30 =	sld [smem:$0x0];
	_ =	sdelay $0x2  }
0xb9: {  	s31 =	sshll.u32 s1, $0xD;
	s1 =	sshrl.u32 s1, $0x2  }
0xba: {  	s3 =	sand.u32 $0x4000, s31;
	s1 =	sadd.s32 s1, s30  }
0xbb: {  	s0 =	sor.u32 s3, s0;
	s1 =	sshll.u32 s1, $0x11  }
0xbc: {  	s0 =	sor.u32 s1, s0  }
0xbd: {  	s0 =	sadd.s32 $0x8F2B, s0  }
0xbe: {  	[sflag:s0] =	ssyncadd.remote.s32 $0x1  }
0xbf: {  	_ =	sfence.sel $0xFFFF  }
0xc0: {  	[dreg:$0x0] =	wrdreg $0xFFFFFFFF;
	(pc) =	sbr.abs _section_cstart, $3  }
0xc1: {  	[dreg:$0x1] =	wrdreg $0xFFFFFFFF  }
0xc2: {  	_ =	task.clear_ibuf [dreg:s8], $0x2FFFF;
	_ =	strace $0x9FFFFFFF  }
0xc3: {  	(tm) =	ssettm $0x7FFFFFFF  }
tec
execute0_lowered:
.L_overlay_start_1:
0x0: {  	(tag) =	ssettag $0x1  }
0x1: {  	s4 =	rddreg [dreg:$0x0];
	s1 =	srdreg.scid  }
0x2: {  	s0 =	stileid.u32;
	s8 =	rddreg [dreg:$0x1]  }
0x3: {  	s12 =	simm.s32 $0x6400;
	s13 =	simm.s32 $0xA400;
	s14 =	simm.s32 $0xE400  }
0x4: {  	s15 =	simm.s32 $0x12400;
	s16 =	simm.s32 $0x16400;
	s17 =	simm.s32 $0x1  }
0x5: {  	s18 =	simm.s32 $0x2;
	s19 =	simm.s32 $0x3;
	s20 =	simm.s32 $0x4  }
0x6: {  	s21 =	simm.s32 $0x5;
	s22 =	simm.s32 $0x0;
	s6 =	sand.u32 $0x1, s1  }
0x7: {  	s2 =	sshll.u32 s0, $0x1;
	s1 =	rddreg [dreg:$0x2];
	s10 =	smul.u32 $0xC8000, s0  }
0x8: {  	s3 =	sor.u32 s6, s2;
	s2 =	simm.s32 $0x0;
	s11 =	smul.u32 $0x64000, s6  }
0x9: {  	s5 =	ssub.s32 $0x2, s6;
	s7 =	smul.u32 $0x6400, s3;
	[smem:$0x7FF] =	sst s2  }
0xa: {  	s9 =	sshrl.u32 s5, $0x1;
	s3 =	smul.u32 $0x64000, s3;
	s10 =	sadd.s32 s10, s8  }
0xb: {  	_ =	strace $0x80000047;
	s9 =	ssub.s32 s5, s9;
	s10 =	sadd.s32 s11, s10  }
0xc: {  	s11 =	simm.s32 $0x6;
	s31 =	sshrl.u32 s7, $0x3;
	s3 =	sadd.s32 s8, s3  }
0xd: {  	s9 =	smax.u32 s9, $0x1;
	s4 =	sadd.s32 s4, s31;
	s5 =	sadd.s32 $0x800, s3  }
0xe: {  	s6 =	sadd.s32 $0x1000, s3;
	s7 =	sadd.s32 $0x1800, s3;
	s8 =	sadd.s32 $0x2000, s3  }
.LBB2_1:
0xf: {  	[tilespmem:s2], [sflag:$0x6] =	stream.linear.gather [hbm4b:s4+s2], $0x6400, $0x38;
	[tilespmem:$0x1A400] =	vst v63  }
0x10: {  	_ =	swait.ge [sflag:s11], $0x6400  }
0x11: {  	[sflag:s11] =	ssyncset.done $0x0  }
0x12: {  	[sflag:s11] =	ssyncadd.s32 $0xFFFF9C00  }
0x13: {  	[hbm4b:s3+s2] =	stream.linear.scatter [tilespmem:s12], [sflag:$0x1], $0x4000, $0x38;
	[tilespmem:$0x1A400] =	vst v63  }
0x14: {  	_ = 	snop  }
0x15: {  	[hbm4b:s5+s2] =	stream.linear.scatter [tilespmem:s13], [sflag:$0x2], $0x4000, $0x38;
	[tilespmem:$0x1A400] =	vst v63  }
0x16: {  	_ = 	snop  }
0x17: {  	[hbm4b:s6+s2] =	stream.linear.scatter [tilespmem:s14], [sflag:$0x3], $0x4000, $0x38;
	[tilespmem:$0x1A400] =	vst v63  }
0x18: {  	_ = 	snop  }
0x19: {  	[hbm4b:s7+s2] =	stream.linear.scatter [tilespmem:s15], [sflag:$0x4], $0x4000, $0x38;
	[tilespmem:$0x1A400] =	vst v63  }
0x1a: {  	_ = 	snop  }
0x1b: {  	[hbm4b:s8+s2] =	stream.linear.scatter [tilespmem:s16], [sflag:$0x5], $0x4000, $0x38;
	[tilespmem:$0x1A400] =	vst v63  }
0x1c: {  	_ =	swait.ge [sflag:s17], $0x4000  }
0x1d: {  	s24 =	sadd.s32 $0x0, s10;
	[sflag:s17] =	ssyncset.done $0x0  }
0x1e: {  	s23 =	sadd.s32 $0x2800, s24;
	[sflag:s17] =	ssyncadd.s32 $0xFFFFC000  }
0x1f: {  	[hbm4b:s23+s2] =	stream.linear.scatter [tilespmem:s12], [sflag:$0x1], $0x4000, $0x38;
	[tilespmem:$0x1A400] =	vst v63  }
0x20: {  	_ =	swait.ge [sflag:s18], $0x4000  }
0x21: {  	[sflag:s18] =	ssyncset.done $0x0  }
0x22: {  	s29 =	sadd.s32 $0x3000, s24;
	[sflag:s18] =	ssyncadd.s32 $0xFFFFC000  }
0x23: {  	[hbm4b:s29+s2] =	stream.linear.scatter [tilespmem:s13], [sflag:$0x2], $0x4000, $0x38;
	[tilespmem:$0x1A400] =	vst v63  }
0x24: {  	_ =	swait.ge [sflag:s19], $0x4000  }
0x25: {  	[sflag:s19] =	ssyncset.done $0x0  }
0x26: {  	s30 =	sadd.s32 $0x3800, s24;
	[sflag:s19] =	ssyncadd.s32 $0xFFFFC000  }
0x27: {  	[hbm4b:s30+s2] =	stream.linear.scatter [tilespmem:s14], [sflag:$0x3], $0x4000, $0x38;
	[tilespmem:$0x1A400] =	vst v63  }
0x28: {  	_ =	swait.ge [sflag:s20], $0x4000  }
0x29: {  	[sflag:s20] =	ssyncset.done $0x0  }
0x2a: {  	s31 =	sadd.s32 $0x4000, s24;
	[sflag:s20] =	ssyncadd.s32 $0xFFFFC000  }
0x2b: {  	[hbm4b:s31+s2] =	stream.linear.scatter [tilespmem:s15], [sflag:$0x4], $0x4000, $0x38;
	[tilespmem:$0x1A400] =	vst v63  }
0x2c: {  	_ =	swait.ge [sflag:s21], $0x4000  }
0x2d: {  	[sflag:s21] =	ssyncset.done $0x0  }
0x2e: {  	s24 =	sadd.s32 $0x4800, s24;
	s23 =	simm.s32 $0x2800;
	[sflag:s21] =	ssyncadd.s32 $0xFFFFC000  }
.LBB2_2:
0x2f: {  	[hbm4b:s24+s2] =	stream.linear.scatter [tilespmem:s16], [sflag:$0x5], $0x4000, $0x38;
	[tilespmem:$0x1A400] =	vst v63  }
0x30: {  	s24 =	smov.u32 s23  }
0x31: {  	p0 =	sne.s32 s23, $0x5F000;
	s23 =	sadd.s32 $0x2800, s23;
	_ =	swait.ge [sflag:s17], $0x4000  }
0x32: {  	s24 =	sadd.s32 s24, s10;
	[sflag:s17] =	ssyncset.done $0x0  }
0x33: {  	s25 =	sadd.s32 $0x2800, s24;
	[sflag:s17] =	ssyncadd.s32 $0xFFFFC000  }
0x34: {  	[hbm4b:s25+s2] =	stream.linear.scatter [tilespmem:s12], [sflag:$0x1], $0x4000, $0x38;
	[tilespmem:$0x1A400] =	vst v63  }
0x35: {  	_ =	swait.ge [sflag:s18], $0x4000  }
0x36: {  	[sflag:s18] =	ssyncset.done $0x0  }
0x37: {  	s25 =	sadd.s32 $0x3000, s24;
	[sflag:s18] =	ssyncadd.s32 $0xFFFFC000  }
0x38: {  	[hbm4b:s25+s2] =	stream.linear.scatter [tilespmem:s13], [sflag:$0x2], $0x4000, $0x38;
	[tilespmem:$0x1A400] =	vst v63  }
0x39: {  	_ =	swait.ge [sflag:s19], $0x4000  }
0x3a: {  	[sflag:s19] =	ssyncset.done $0x0  }
0x3b: {  	s25 =	sadd.s32 $0x3800, s24;
	[sflag:s19] =	ssyncadd.s32 $0xFFFFC000  }
0x3c: {  	[hbm4b:s25+s2] =	stream.linear.scatter [tilespmem:s14], [sflag:$0x3], $0x4000, $0x38;
	[tilespmem:$0x1A400] =	vst v63  }
0x3d: {  	_ =	swait.ge [sflag:s20], $0x4000  }
0x3e: {  	[sflag:s20] =	ssyncset.done $0x0  }
.Ltmp0:
0x3f: {  	s25 =	sadd.s32 $0x4000, s24;
	[sflag:s20] =	ssyncadd.s32 $0xFFFFC000;
	(pc) =	sbr.rel @p0 .LBB2_2-.Ltmp0, $4  }
0x40: {  	[hbm4b:s25+s2] =	stream.linear.scatter [tilespmem:s15], [sflag:$0x4], $0x4000, $0x38;
	[tilespmem:$0x1A400] =	vst v63  }
0x41: {  	_ =	swait.ge [sflag:s21], $0x4000  }
0x42: {  	[sflag:s21] =	ssyncset.done $0x0  }
0x43: {  	s24 =	sadd.s32 $0x4800, s24;
	[sflag:s21] =	ssyncadd.s32 $0xFFFFC000  }
0x44: {  	[hbm4b:s24+s2] =	stream.linear.scatter [tilespmem:s16], [sflag:$0x5], $0x4000, $0x38;
	[tilespmem:$0x1A400] =	vst v63  }
0x45: {  	_ =	swait.ge [sflag:s17], $0x4000  }
0x46: {  	[sflag:s17] =	ssyncset.done $0x0  }
0x47: {  	[sflag:s17] =	ssyncadd.s32 $0xFFFFC000  }
0x48: {  	_ =	swait.ge [sflag:s18], $0x4000  }
0x49: {  	[sflag:s18] =	ssyncset.done $0x0  }
0x4a: {  	[sflag:s18] =	ssyncadd.s32 $0xFFFFC000  }
0x4b: {  	_ =	swait.ge [sflag:s19], $0x4000  }
0x4c: {  	[sflag:s19] =	ssyncset.done $0x0  }
0x4d: {  	s22 =	sadd.s32 $0x1, s22;
	[sflag:s19] =	ssyncadd.s32 $0xFFFFC000  }
0x4e: {  	p0 =	sne.s32 s22, s9;
	_ =	swait.ge [sflag:s20], $0x4000  }
.Ltmp1:
0x4f: {  	[sflag:s20] =	ssyncset.done $0x0;
	(pc) =	sbr.rel @p0 .LBB2_1-.Ltmp1, $4  }
0x50: {  	[sflag:s20] =	ssyncadd.s32 $0xFFFFC000  }
0x51: {  	_ =	swait.ge [sflag:s21], $0x4000  }
0x52: {  	[sflag:s21] =	ssyncset.done $0x0  }
0x53: {  	[sflag:s21] =	ssyncadd.s32 $0xFFFFC000  }
0x54: {  	_ =	sfence.sel $0x180000  }
0x55: {  	[bflag:$0x0] =	sbarrier.arrive $0xFFFF  }
0x56: {  	p0 =	sne.s32 s0, $0x0;
	_ =	strace $0x90000047  }
0x57: {  	s0 =	sadd.s32 @!p0 $0x100000, s1;
	[bflag:$0x2] =	sbarrier.arrive $0xFFFF  }
0x58: {  	[sflag:s0] =	ssyncadd.tile.s32 @!p0 $0x1;
	_ =	shalt  }
.Lfunc_end2:
_tile_overlayer_lowered:
.L_overlay_start_2:
0x59: {  	(tag) =	ssettag $0x2  }
0x5a: {  	s0 =	rddreg [dreg:$0x0];
	s2 =	stileid.u32  }
0x5b: {  	s1 =	rddreg [dreg:$0x1];
	p0 =	sne.s32 s2, $0x0  }
0x5c: {  	s3 =	rddreg [dreg:$0x2];
	[bflag:$0x3] =	sbarrier.arrive $0xFFFF;
	s2 =	simm.s32 @!p0 $0x1C06  }
0x5d: {  	[timem:s3], [sflag:s2] =	dma.local @!p0 [hbm:s0], s1  }
0x5e: {  	s0 =	simm.s32 @!p0 $0x6  }
0x5f: {  	_ =	swait.ge @!p0 [sflag:s0], s1  }
0x60: {  	s1 =	ssub.s32 @!p0 $0x0, s1;
	[sflag:s0] =	ssyncset.done @!p0 $0x0  }
0x61: {  	[sflag:s0] =	ssyncadd.s32 @!p0 s1  }
0x62: {  	[bflag:$0x3] =	sbarrier.arrive $0xFFFF  }
0x63: {  	_ =	shalt  }

</sc_bundles>
